<compile_context>
chip_gen: v7x
topology: tpu7x:2x2x1
jax: 0.10.2.dev20260603
libtpu: 0.0.44.dev20260713+nightly
codegen_flags: <defaults>
</compile_context>

<pallas_src>
import functools

import jax
import jax.numpy as jnp
from jax import lax
from jax.experimental import pallas as pl
from jax.experimental.pallas import tpu as pltpu
from jax.experimental.pallas import tpu_sc as plsc

NC = 2
NS = 16
K = 112


def _sc_body(n_nodes, n_edges, x_hbm, ei_hbm, zeros_hbm,
             o0_hbm, o1_hbm, sidx, didx, rows0, rows1, agg_sh,
             gsem0, gsem1, zsem):
    c = lax.axis_index("c")
    s = lax.axis_index("s")
    wid = s * NC + c

    rows = (rows0, rows1)
    gsem = (gsem0, gsem1)

    rpt = ((n_nodes + NS - 1) // NS + 7) // 8 * 8
    last = n_nodes - (NS - 1) * rpt
    e_per_w = n_edges // (NC * NS)
    n_chunks = e_per_w // K
    tail = e_per_w % K
    row0 = s * rpt

    @pl.when(s < NS - 1)
    def _():
        pltpu.async_copy(zeros_hbm.at[pl.ds(0, rpt)],
                         agg_sh.at[pl.ds(row0, rpt)], zsem)

    @pl.when(s == NS - 1)
    def _():
        pltpu.async_copy(zeros_hbm.at[pl.ds(0, last)],
                         agg_sh.at[pl.ds(row0, last)], zsem)

    base = wid * e_per_w
    pltpu.sync_copy(ei_hbm.at[pl.ds(base, e_per_w)], sidx)

    def start_gather(i, b):
        pltpu.async_copy(x_hbm.at[sidx.at[pl.ds(i * K, K)]], rows[b], gsem[b])

    def wait_gather(b):
        pltpu.make_async_copy(zeros_hbm.at[pl.ds(0, K)], rows[b],
                              gsem[b]).wait()

    def scatter(i, b):
        pltpu.sync_copy(rows[b], agg_sh.at[didx.at[pl.ds(i * K, K)]],
                        add=True)

    start_gather(0, 0)
    start_gather(1, 1)
    pltpu.sync_copy(ei_hbm.at[pl.ds(n_edges + base, e_per_w)], didx)

    @pl.when(s < NS - 1)
    def _():
        pltpu.make_async_copy(zeros_hbm.at[pl.ds(0, rpt)],
                              agg_sh.at[pl.ds(row0, rpt)], zsem).wait()

    @pl.when(s == NS - 1)
    def _():
        pltpu.make_async_copy(zeros_hbm.at[pl.ds(0, last)],
                              agg_sh.at[pl.ds(row0, last)], zsem).wait()

    plsc.subcore_barrier()

    def pair(j, carry):
        for b in range(2):
            i = 2 * j + b
            wait_gather(b)

            @pl.when(i + 2 < n_chunks)
            def _():
                start_gather(i + 2, b)

            scatter(i, b)
        return carry

    lax.fori_loop(0, n_chunks // 2, pair, 0)
    if n_chunks % 2:
        i = n_chunks - 1
        wait_gather(i % 2)
        scatter(i, i % 2)
    if tail:
        toff = n_chunks * K
        pltpu.async_copy(x_hbm.at[sidx.at[pl.ds(toff, tail)]],
                         rows0.at[pl.ds(0, tail)], gsem0).wait()
        pltpu.sync_copy(rows0.at[pl.ds(0, tail)],
                        agg_sh.at[didx.at[pl.ds(toff, tail)]], add=True)
    plsc.subcore_barrier()

    def copy_out(o_hbm, nrows):
        pltpu.sync_copy(agg_sh.at[pl.ds(row0, nrows)],
                        o_hbm.at[pl.ds(row0, nrows)])

    @pl.when(jnp.logical_and(c == 0, s < NS - 1))
    def _():
        copy_out(o0_hbm, rpt)

    @pl.when(jnp.logical_and(c == 0, s == NS - 1))
    def _():
        copy_out(o0_hbm, last)

    @pl.when(jnp.logical_and(c == 1, s < NS - 1))
    def _():
        copy_out(o1_hbm, rpt)

    @pl.when(jnp.logical_and(c == 1, s == NS - 1))
    def _():
        copy_out(o1_hbm, last)


def _tc_body(a0_ref, a1_ref, x_ref, wm_ref, ws_ref, o_ref):
    agg = a0_ref[...] + a1_ref[...]
    y = (jnp.dot(agg, wm_ref[...], preferred_element_type=jnp.float32)
         + jnp.dot(x_ref[...], ws_ref[...], preferred_element_type=jnp.float32))
    o_ref[...] = jnp.where(y >= 0.0, y, 0.01 * y)


def kernel(x, edge_index, W_msg, W_self):
    n_nodes, d = x.shape
    n_edges = edge_index.shape[1]
    e_per_w = n_edges // (NC * NS)
    ei_flat = edge_index.reshape(-1)
    rpt = ((n_nodes + NS - 1) // NS + 7) // 8 * 8
    zeros = jnp.zeros((rpt, d), dtype=jnp.float32)

    mesh = plsc.VectorSubcoreMesh(core_axis_name="c", subcore_axis_name="s",
                                  num_cores=NC, num_subcores=NS)
    sc_agg = pl.kernel(
        functools.partial(_sc_body, n_nodes, n_edges),
        out_type=(jax.ShapeDtypeStruct((n_nodes, d), jnp.float32),
                  jax.ShapeDtypeStruct((n_nodes, d), jnp.float32)),
        mesh=mesh,
        scratch_types=[
            pltpu.VMEM((e_per_w,), jnp.int32),
            pltpu.VMEM((e_per_w,), jnp.int32),
            pltpu.VMEM((K, d), jnp.float32),
            pltpu.VMEM((K, d), jnp.float32),
            pltpu.VMEM_SHARED((n_nodes, d), jnp.float32),
            pltpu.SemaphoreType.DMA,
            pltpu.SemaphoreType.DMA,
            pltpu.SemaphoreType.DMA,
        ],
    )
    agg0, agg1 = sc_agg(x, ei_flat, zeros)

    blk = 5000
    grid = (n_nodes // blk,)
    row_spec = pl.BlockSpec((blk, d), lambda i: (i, 0))
    w_spec = pl.BlockSpec((d, d), lambda i: (0, 0))
    out = pl.pallas_call(
        _tc_body,
        grid=grid,
        in_specs=[row_spec, row_spec, row_spec, w_spec, w_spec],
        out_specs=row_spec,
        out_shape=jax.ShapeDtypeStruct((n_nodes, d), jnp.float32),
    )(agg0, agg1, x, W_msg, W_self)
    return out

# --- scband reference (transcript-rebuilt; emitter-appended) ---
"""Pipeline reference for scband-gnn-85383949845032 (READ-ONLY COPY).

The authoritative reference and input builder live on the scoring server;
editing this copy changes nothing except your own understanding.
"""

import jax, jax.numpy as jnp
import numpy as np

N_NODES = 10000
N_EDGES = 320000
D_FEAT = 128


def setup_inputs(seed: int = 0) -> dict:
    key = jax.random.key(seed)
    k1, k2, k3, k4 = jax.random.split(key, 4)
    x = jax.random.normal(k1, (N_NODES, D_FEAT), dtype=jnp.float32)
    edge_index = jax.random.randint(k2, (2, N_EDGES), 0, N_NODES, dtype=jnp.int32)
    scale = 1.0 / np.sqrt(D_FEAT)
    W_msg = jax.random.normal(k3, (D_FEAT, D_FEAT), dtype=jnp.float32) * scale
    W_self = jax.random.normal(k4, (D_FEAT, D_FEAT), dtype=jnp.float32) * scale
    return {"x": x, "edge_index": edge_index, "W_msg": W_msg, "W_self": W_self}


def reference(x, edge_index, W_msg, W_self):
    # One hetero-conv layer with sum aggregation over the ('node','to','node') edge type
    # plus the implicit ('node','self','node') self-loop edge type added in __init__,
    # followed by leaky_relu as in GNN.forward.
    src = edge_index[0]
    dst = edge_index[1]
    msgs = jnp.take(x, src, axis=0)                      # gather: [E, d]
    agg = jax.ops.segment_sum(msgs, dst, num_segments=x.shape[0])  # scatter-add: [N, d]
    out = agg @ W_msg + x @ W_self                       # per-edge-type linear, summed
    out = jax.nn.leaky_relu(out, negative_slope=0.01)
    return out

if __name__ == "__main__":
    import jax
    _d = setup_inputs()
    print(jax.jit(kernel)(*tuple(_d.values())))

</pallas_src>

<mosaic_0001>
#map = affine_map<(d0, d1) -> (0, 0)>
#map1 = affine_map<(d0, d1) -> (0)>
module attributes {stable_mosaic.version = 14 : i64} {
  func.func @_sc_body(%arg0: i32, %arg1: i32, %arg2: memref<10000x128xf32, #tpu.memory_space<hbm>>, %arg3: memref<640000xi32, #tpu.memory_space<hbm>>, %arg4: memref<632x128xf32, #tpu.memory_space<hbm>>, %arg5: memref<10000x128xf32, #tpu.memory_space<hbm>>, %arg6: memref<10000x128xf32, #tpu.memory_space<hbm>>, %arg7: memref<10000xi32, #tpu.memory_space<vmem>>, %arg8: memref<10000xi32, #tpu.memory_space<vmem>>, %arg9: memref<112x128xf32, #tpu.memory_space<vmem>>, %arg10: memref<112x128xf32, #tpu.memory_space<vmem>>, %arg11: memref<10000x128xf32, #tpu.memory_space<vmem_shared>>, %arg12: memref<!tpu.dma_semaphore, #tpu.memory_space<semaphore_mem>>, %arg13: memref<!tpu.dma_semaphore, #tpu.memory_space<semaphore_mem>>, %arg14: memref<!tpu.dma_semaphore, #tpu.memory_space<semaphore_mem>>) attributes {dimension_semantics = [#tpu.dimension_semantics<core_parallel>, #tpu.dimension_semantics<subcore_parallel>], iteration_bounds = array<i64: 2, 16>, scalar_prefetch = 0 : i64, scratch_operands = 8 : i64, tpu.core_type = #tpu.core_type<sc_vector_subcore>, window_params = [{transform_indices = #map}, {transform_indices = #map1}, {transform_indices = #map}, {transform_indices = #map}, {transform_indices = #map}]} {
    %mul3A = arith.constant 2 : i32
    %mul3A_0 = arith.muli %arg1, %mul3A : i32
    %add3A = arith.addi %mul3A_0, %arg0 : i32
    %mul3A_1 = arith.constant 632 : i32
    %mul3A_2 = arith.muli %arg1, %mul3A_1 : i32
    %lt3A = arith.constant 15 : i32
    %lt3A_3 = arith.cmpi slt, %arg1, %lt3A : i32
    %convert_element_type3A = arith.extui %lt3A_3 : i1 to i32
    %cond3A = arith.constant 0 : i32
    %cond3A_4 = arith.cmpi ne, %convert_element_type3A, %cond3A : i32
    scf.if %cond3A_4 {
      %dma_start3A_90 = arith.constant 0 : i32
      %dma_start3A_91 = tpu.memref_slice %arg11[%mul3A_2, %dma_start3A_90] : memref<10000x128xf32, #tpu.memory_space<vmem_shared>> -> memref<632x128xf32, #tpu.memory_space<vmem_shared>>
      %dma_start3A_92 = arith.constant 0 : i32
      %dma_start3A_93 = arith.constant 0 : i32
      %dma_start3A_94 = tpu.memref_slice %arg4[%dma_start3A_92, %dma_start3A_93] : memref<632x128xf32, #tpu.memory_space<hbm>> -> memref<632x128xf32, #tpu.memory_space<hbm>>
      tpu.enqueue_dma source(%dma_start3A_94 : memref<632x128xf32, #tpu.memory_space<hbm>>) target(%dma_start3A_91 : memref<632x128xf32, #tpu.memory_space<vmem_shared>>) target_semaphore(%arg14 : memref<!tpu.dma_semaphore, #tpu.memory_space<semaphore_mem>>)
    } else {
    }
    %eq3A = arith.constant 15 : i32
    %eq3A_5 = arith.cmpi eq, %arg1, %eq3A : i32
    %convert_element_type3A_6 = arith.extui %eq3A_5 : i1 to i32
    %cond3A_7 = arith.constant 0 : i32
    %cond3A_8 = arith.cmpi ne, %convert_element_type3A_6, %cond3A_7 : i32
    scf.if %cond3A_8 {
      %dma_start3A_90 = arith.constant 0 : i32
      %dma_start3A_91 = tpu.memref_slice %arg11[%mul3A_2, %dma_start3A_90] : memref<10000x128xf32, #tpu.memory_space<vmem_shared>> -> memref<520x128xf32, #tpu.memory_space<vmem_shared>>
      %dma_start3A_92 = arith.constant 0 : i32
      %dma_start3A_93 = arith.constant 0 : i32
      %dma_start3A_94 = tpu.memref_slice %arg4[%dma_start3A_92, %dma_start3A_93] : memref<632x128xf32, #tpu.memory_space<hbm>> -> memref<520x128xf32, #tpu.memory_space<hbm>>
      tpu.enqueue_dma source(%dma_start3A_94 : memref<520x128xf32, #tpu.memory_space<hbm>>) target(%dma_start3A_91 : memref<520x128xf32, #tpu.memory_space<vmem_shared>>) target_semaphore(%arg14 : memref<!tpu.dma_semaphore, #tpu.memory_space<semaphore_mem>>)
    } else {
    }
    %mul3A_9 = arith.constant 10000 : i32
    %mul3A_10 = arith.muli %add3A, %mul3A_9 : i32
    "tpu.region"() ({
      %run_scoped3A = tpu.sem_alloc : memref<!tpu.dma_semaphore, #tpu.memory_space<semaphore_mem>>
      %dma_start3A_90 = tpu.memref_slice %arg3[%mul3A_10] : memref<640000xi32, #tpu.memory_space<hbm>> -> memref<10000xi32, #tpu.memory_space<hbm>>
      %dma_start3A_91 = tpu.memref_slice %arg3[%mul3A_10] : memref<640000xi32, #tpu.memory_space<hbm>> -> memref<10000xi32, #tpu.memory_space<hbm>>
      tpu.enqueue_dma source(%dma_start3A_91 : memref<10000xi32, #tpu.memory_space<hbm>>) target(%arg7 : memref<10000xi32, #tpu.memory_space<vmem>>) target_semaphore(%run_scoped3A : memref<!tpu.dma_semaphore, #tpu.memory_space<semaphore_mem>>)
      %dma_wait3A_92 = tpu.memref_slice %arg3[%mul3A_10] : memref<640000xi32, #tpu.memory_space<hbm>> -> memref<10000xi32, #tpu.memory_space<hbm>>
      %dma_wait3A_93 = tpu.memref_slice %arg3[%mul3A_10] : memref<640000xi32, #tpu.memory_space<hbm>> -> memref<10000xi32, #tpu.memory_space<hbm>>
      tpu.wait_dma2 semaphore(%run_scoped3A : memref<!tpu.dma_semaphore, #tpu.memory_space<semaphore_mem>>) src(%dma_wait3A_93 : memref<10000xi32, #tpu.memory_space<hbm>>) dst(%arg7 : memref<10000xi32, #tpu.memory_space<vmem>>)
      tpu.yield
    }) : () -> ()
    %dma_start3A = arith.constant 0 : i32
    %dma_start3A_11 = tpu.memref_slice %arg7[%dma_start3A] : memref<10000xi32, #tpu.memory_space<vmem>> -> memref<112xi32, #tpu.memory_space<vmem>>
    %dma_start3A_12 = arith.constant 0 : i32
    %dma_start3A_13 = arith.constant 0 : i32
    %dma_start3A_14 = tpu.memref_slice %arg2[%dma_start3A_12, %dma_start3A_13] : memref<10000x128xf32, #tpu.memory_space<hbm>> -> memref<10000x128xf32, #tpu.memory_space<hbm>>
    tpu.enqueue_indirect_dma source(%dma_start3A_14 : memref<10000x128xf32, #tpu.memory_space<hbm>>) target(%arg9 : memref<112x128xf32, #tpu.memory_space<vmem>>) offsets(%dma_start3A_11 : memref<112xi32, #tpu.memory_space<vmem>>) semaphore(%arg12 : memref<!tpu.dma_semaphore, #tpu.memory_space<semaphore_mem>>)
    %dma_start3A_15 = arith.constant 112 : i32
    %dma_start3A_16 = tpu.memref_slice %arg7[%dma_start3A_15] : memref<10000xi32, #tpu.memory_space<vmem>> -> memref<112xi32, #tpu.memory_space<vmem>>
    %dma_start3A_17 = arith.constant 0 : i32
    %dma_start3A_18 = arith.constant 0 : i32
    %dma_start3A_19 = tpu.memref_slice %arg2[%dma_start3A_17, %dma_start3A_18] : memref<10000x128xf32, #tpu.memory_space<hbm>> -> memref<10000x128xf32, #tpu.memory_space<hbm>>
    tpu.enqueue_indirect_dma source(%dma_start3A_19 : memref<10000x128xf32, #tpu.memory_space<hbm>>) target(%arg10 : memref<112x128xf32, #tpu.memory_space<vmem>>) offsets(%dma_start3A_16 : memref<112xi32, #tpu.memory_space<vmem>>) semaphore(%arg13 : memref<!tpu.dma_semaphore, #tpu.memory_space<semaphore_mem>>)
    %add3A_20 = arith.constant 320000 : i32
    %add3A_21 = arith.addi %add3A_20, %mul3A_10 : i32
    "tpu.region"() ({
      %run_scoped3A = tpu.sem_alloc : memref<!tpu.dma_semaphore, #tpu.memory_space<semaphore_mem>>
      %dma_start3A_90 = tpu.memref_slice %arg3[%add3A_21] : memref<640000xi32, #tpu.memory_space<hbm>> -> memref<10000xi32, #tpu.memory_space<hbm>>
      %dma_start3A_91 = tpu.memref_slice %arg3[%add3A_21] : memref<640000xi32, #tpu.memory_space<hbm>> -> memref<10000xi32, #tpu.memory_space<hbm>>
      tpu.enqueue_dma source(%dma_start3A_91 : memref<10000xi32, #tpu.memory_space<hbm>>) target(%arg8 : memref<10000xi32, #tpu.memory_space<vmem>>) target_semaphore(%run_scoped3A : memref<!tpu.dma_semaphore, #tpu.memory_space<semaphore_mem>>)
      %dma_wait3A_92 = tpu.memref_slice %arg3[%add3A_21] : memref<640000xi32, #tpu.memory_space<hbm>> -> memref<10000xi32, #tpu.memory_space<hbm>>
      %dma_wait3A_93 = tpu.memref_slice %arg3[%add3A_21] : memref<640000xi32, #tpu.memory_space<hbm>> -> memref<10000xi32, #tpu.memory_space<hbm>>
      tpu.wait_dma2 semaphore(%run_scoped3A : memref<!tpu.dma_semaphore, #tpu.memory_space<semaphore_mem>>) src(%dma_wait3A_93 : memref<10000xi32, #tpu.memory_space<hbm>>) dst(%arg8 : memref<10000xi32, #tpu.memory_space<vmem>>)
      tpu.yield
    }) : () -> ()
    %lt3A_22 = arith.constant 15 : i32
    %lt3A_23 = arith.cmpi slt, %arg1, %lt3A_22 : i32
    %convert_element_type3A_24 = arith.extui %lt3A_23 : i1 to i32
    %cond3A_25 = arith.constant 0 : i32
    %cond3A_26 = arith.cmpi ne, %convert_element_type3A_24, %cond3A_25 : i32
    scf.if %cond3A_26 {
      %dma_wait3A_90 = arith.constant 0 : i32
      %dma_wait3A_91 = tpu.memref_slice %arg11[%mul3A_2, %dma_wait3A_90] : memref<10000x128xf32, #tpu.memory_space<vmem_shared>> -> memref<632x128xf32, #tpu.memory_space<vmem_shared>>
      %dma_wait3A_92 = arith.constant 0 : i32
      %dma_wait3A_93 = arith.constant 0 : i32
      %dma_wait3A_94 = tpu.memref_slice %arg4[%dma_wait3A_92, %dma_wait3A_93] : memref<632x128xf32, #tpu.memory_space<hbm>> -> memref<632x128xf32, #tpu.memory_space<hbm>>
      tpu.wait_dma2 semaphore(%arg14 : memref<!tpu.dma_semaphore, #tpu.memory_space<semaphore_mem>>) src(%dma_wait3A_94 : memref<632x128xf32, #tpu.memory_space<hbm>>) dst(%dma_wait3A_91 : memref<632x128xf32, #tpu.memory_space<vmem_shared>>)
    } else {
    }
    %eq3A_27 = arith.constant 15 : i32
    %eq3A_28 = arith.cmpi eq, %arg1, %eq3A_27 : i32
    %convert_element_type3A_29 = arith.extui %eq3A_28 : i1 to i32
    %cond3A_30 = arith.constant 0 : i32
    %cond3A_31 = arith.cmpi ne, %convert_element_type3A_29, %cond3A_30 : i32
    scf.if %cond3A_31 {
      %dma_wait3A_90 = arith.constant 0 : i32
      %dma_wait3A_91 = tpu.memref_slice %arg11[%mul3A_2, %dma_wait3A_90] : memref<10000x128xf32, #tpu.memory_space<vmem_shared>> -> memref<520x128xf32, #tpu.memory_space<vmem_shared>>
      %dma_wait3A_92 = arith.constant 0 : i32
      %dma_wait3A_93 = arith.constant 0 : i32
      %dma_wait3A_94 = tpu.memref_slice %arg4[%dma_wait3A_92, %dma_wait3A_93] : memref<632x128xf32, #tpu.memory_space<hbm>> -> memref<520x128xf32, #tpu.memory_space<hbm>>
      tpu.wait_dma2 semaphore(%arg14 : memref<!tpu.dma_semaphore, #tpu.memory_space<semaphore_mem>>) src(%dma_wait3A_94 : memref<520x128xf32, #tpu.memory_space<hbm>>) dst(%dma_wait3A_91 : memref<520x128xf32, #tpu.memory_space<vmem_shared>>)
    } else {
    }
    %barrier3A = arith.constant 0 : index
    tpu.barrier barrier_id(%barrier3A)
    %scan3A = arith.constant 0 : i32
    %scan3A_32 = arith.constant 0 : i32
    %scan3A_33 = arith.constant 44 : i32
    %scan3A_34 = arith.addi %scan3A_32, %scan3A_33 : i32
    %scan3A_35 = arith.constant 1 : i32
    scf.for %scan3A_90 = %scan3A_32 to %scan3A_34 step %scan3A_35  : i32 {
      %mul3A_91 = arith.constant 2 : i32
      %mul3A_92 = arith.muli %mul3A_91, %scan3A_90 : i32
      %add3A_93 = arith.constant 0 : i32
      %add3A_94 = arith.addi %mul3A_92, %add3A_93 : i32
      %dma_wait3A_95 = arith.constant 0 : i32
      %dma_wait3A_96 = arith.constant 0 : i32
      %dma_wait3A_97 = tpu.memref_slice %arg4[%dma_wait3A_95, %dma_wait3A_96] : memref<632x128xf32, #tpu.memory_space<hbm>> -> memref<112x128xf32, #tpu.memory_space<hbm>>
      %dma_wait3A_98 = arith.constant 0 : i32
      %dma_wait3A_99 = arith.constant 0 : i32
      %dma_wait3A_100 = tpu.memref_slice %arg4[%dma_wait3A_98, %dma_wait3A_99] : memref<632x128xf32, #tpu.memory_space<hbm>> -> memref<112x128xf32, #tpu.memory_space<hbm>>
      tpu.wait_dma2 semaphore(%arg12 : memref<!tpu.dma_semaphore, #tpu.memory_space<semaphore_mem>>) src(%dma_wait3A_100 : memref<112x128xf32, #tpu.memory_space<hbm>>) dst(%arg9 : memref<112x128xf32, #tpu.memory_space<vmem>>)
      %add3A_101 = arith.constant 2 : i32
      %add3A_102 = arith.addi %add3A_94, %add3A_101 : i32
      %lt3A_103 = arith.constant 89 : i32
      %lt3A_104 = arith.cmpi slt, %add3A_102, %lt3A_103 : i32
      %convert_element_type3A_105 = arith.extui %lt3A_104 : i1 to i32
      %cond3A_106 = arith.constant 0 : i32
      %cond3A_107 = arith.cmpi ne, %convert_element_type3A_105, %cond3A_106 : i32
      scf.if %cond3A_107 {
        %add3A_129 = arith.constant 2 : i32
        %add3A_130 = arith.addi %add3A_94, %add3A_129 : i32
        %mul3A_131 = arith.constant 112 : i32
        %mul3A_132 = arith.muli %add3A_130, %mul3A_131 : i32
        %dma_start3A_133 = tpu.memref_slice %arg7[%mul3A_132] : memref<10000xi32, #tpu.memory_space<vmem>> -> memref<112xi32, #tpu.memory_space<vmem>>
        %dma_start3A_134 = arith.constant 0 : i32
        %dma_start3A_135 = arith.constant 0 : i32
        %dma_start3A_136 = tpu.memref_slice %arg2[%dma_start3A_134, %dma_start3A_135] : memref<10000x128xf32, #tpu.memory_space<hbm>> -> memref<10000x128xf32, #tpu.memory_space<hbm>>
        tpu.enqueue_indirect_dma source(%dma_start3A_136 : memref<10000x128xf32, #tpu.memory_space<hbm>>) target(%arg9 : memref<112x128xf32, #tpu.memory_space<vmem>>) offsets(%dma_start3A_133 : memref<112xi32, #tpu.memory_space<vmem>>) semaphore(%arg12 : memref<!tpu.dma_semaphore, #tpu.memory_space<semaphore_mem>>)
      } else {
      }
      %mul3A_108 = arith.constant 112 : i32
      %mul3A_109 = arith.muli %add3A_94, %mul3A_108 : i32
      "tpu.region"() ({
        %run_scoped3A = tpu.sem_alloc : memref<!tpu.dma_semaphore, #tpu.memory_space<semaphore_mem>>
        %dma_start3A_129 = tpu.memref_slice %arg8[%mul3A_109] : memref<10000xi32, #tpu.memory_space<vmem>> -> memref<112xi32, #tpu.memory_space<vmem>>
        %dma_start3A_130 = arith.constant 0 : i32
        %dma_start3A_131 = arith.constant 0 : i32
        %dma_start3A_132 = tpu.memref_slice %arg11[%dma_start3A_130, %dma_start3A_131] : memref<10000x128xf32, #tpu.memory_space<vmem_shared>> -> memref<10000x128xf32, #tpu.memory_space<vmem_shared>>
        tpu.enqueue_indirect_dma source(%arg9 : memref<112x128xf32, #tpu.memory_space<vmem>>) target(%dma_start3A_132 : memref<10000x128xf32, #tpu.memory_space<vmem_shared>>) offsets(%dma_start3A_129 : memref<112xi32, #tpu.memory_space<vmem>>) semaphore(%run_scoped3A : memref<!tpu.dma_semaphore, #tpu.memory_space<semaphore_mem>>) {add = true}
        %dma_wait3A_133 = tpu.memref_slice %arg8[%mul3A_109] : memref<10000xi32, #tpu.memory_space<vmem>> -> memref<112xi32, #tpu.memory_space<vmem>>
        %dma_wait3A_134 = arith.constant 0 : i32
        %dma_wait3A_135 = arith.constant 0 : i32
        %dma_wait3A_136 = tpu.memref_slice %arg11[%dma_wait3A_134, %dma_wait3A_135] : memref<10000x128xf32, #tpu.memory_space<vmem_shared>> -> memref<10000x128xf32, #tpu.memory_space<vmem_shared>>
        tpu.wait_indirect_dma semaphore(%run_scoped3A : memref<!tpu.dma_semaphore, #tpu.memory_space<semaphore_mem>>) src(%arg9 : memref<112x128xf32, #tpu.memory_space<vmem>>) dst(%dma_wait3A_136 : memref<10000x128xf32, #tpu.memory_space<vmem_shared>>)
        tpu.yield
      }) : () -> ()
      %mul3A_110 = arith.constant 2 : i32
      %mul3A_111 = arith.muli %mul3A_110, %scan3A_90 : i32
      %add3A_112 = arith.constant 1 : i32
      %add3A_113 = arith.addi %mul3A_111, %add3A_112 : i32
      %dma_wait3A_114 = arith.constant 0 : i32
      %dma_wait3A_115 = arith.constant 0 : i32
      %dma_wait3A_116 = tpu.memref_slice %arg4[%dma_wait3A_114, %dma_wait3A_115] : memref<632x128xf32, #tpu.memory_space<hbm>> -> memref<112x128xf32, #tpu.memory_space<hbm>>
      %dma_wait3A_117 = arith.constant 0 : i32
      %dma_wait3A_118 = arith.constant 0 : i32
      %dma_wait3A_119 = tpu.memref_slice %arg4[%dma_wait3A_117, %dma_wait3A_118] : memref<632x128xf32, #tpu.memory_space<hbm>> -> memref<112x128xf32, #tpu.memory_space<hbm>>
      tpu.wait_dma2 semaphore(%arg13 : memref<!tpu.dma_semaphore, #tpu.memory_space<semaphore_mem>>) src(%dma_wait3A_119 : memref<112x128xf32, #tpu.memory_space<hbm>>) dst(%arg10 : memref<112x128xf32, #tpu.memory_space<vmem>>)
      %add3A_120 = arith.constant 2 : i32
      %add3A_121 = arith.addi %add3A_113, %add3A_120 : i32
      %lt3A_122 = arith.constant 89 : i32
      %lt3A_123 = arith.cmpi slt, %add3A_121, %lt3A_122 : i32
      %convert_element_type3A_124 = arith.extui %lt3A_123 : i1 to i32
      %cond3A_125 = arith.constant 0 : i32
      %cond3A_126 = arith.cmpi ne, %convert_element_type3A_124, %cond3A_125 : i32
      scf.if %cond3A_126 {
        %add3A_129 = arith.constant 2 : i32
        %add3A_130 = arith.addi %add3A_113, %add3A_129 : i32
        %mul3A_131 = arith.constant 112 : i32
        %mul3A_132 = arith.muli %add3A_130, %mul3A_131 : i32
        %dma_start3A_133 = tpu.memref_slice %arg7[%mul3A_132] : memref<10000xi32, #tpu.memory_space<vmem>> -> memref<112xi32, #tpu.memory_space<vmem>>
        %dma_start3A_134 = arith.constant 0 : i32
        %dma_start3A_135 = arith.constant 0 : i32
        %dma_start3A_136 = tpu.memref_slice %arg2[%dma_start3A_134, %dma_start3A_135] : memref<10000x128xf32, #tpu.memory_space<hbm>> -> memref<10000x128xf32, #tpu.memory_space<hbm>>
        tpu.enqueue_indirect_dma source(%dma_start3A_136 : memref<10000x128xf32, #tpu.memory_space<hbm>>) target(%arg10 : memref<112x128xf32, #tpu.memory_space<vmem>>) offsets(%dma_start3A_133 : memref<112xi32, #tpu.memory_space<vmem>>) semaphore(%arg13 : memref<!tpu.dma_semaphore, #tpu.memory_space<semaphore_mem>>)
      } else {
      }
      %mul3A_127 = arith.constant 112 : i32
      %mul3A_128 = arith.muli %add3A_113, %mul3A_127 : i32
      "tpu.region"() ({
        %run_scoped3A = tpu.sem_alloc : memref<!tpu.dma_semaphore, #tpu.memory_space<semaphore_mem>>
        %dma_start3A_129 = tpu.memref_slice %arg8[%mul3A_128] : memref<10000xi32, #tpu.memory_space<vmem>> -> memref<112xi32, #tpu.memory_space<vmem>>
        %dma_start3A_130 = arith.constant 0 : i32
        %dma_start3A_131 = arith.constant 0 : i32
        %dma_start3A_132 = tpu.memref_slice %arg11[%dma_start3A_130, %dma_start3A_131] : memref<10000x128xf32, #tpu.memory_space<vmem_shared>> -> memref<10000x128xf32, #tpu.memory_space<vmem_shared>>
        tpu.enqueue_indirect_dma source(%arg10 : memref<112x128xf32, #tpu.memory_space<vmem>>) target(%dma_start3A_132 : memref<10000x128xf32, #tpu.memory_space<vmem_shared>>) offsets(%dma_start3A_129 : memref<112xi32, #tpu.memory_space<vmem>>) semaphore(%run_scoped3A : memref<!tpu.dma_semaphore, #tpu.memory_space<semaphore_mem>>) {add = true}
        %dma_wait3A_133 = tpu.memref_slice %arg8[%mul3A_128] : memref<10000xi32, #tpu.memory_space<vmem>> -> memref<112xi32, #tpu.memory_space<vmem>>
        %dma_wait3A_134 = arith.constant 0 : i32
        %dma_wait3A_135 = arith.constant 0 : i32
        %dma_wait3A_136 = tpu.memref_slice %arg11[%dma_wait3A_134, %dma_wait3A_135] : memref<10000x128xf32, #tpu.memory_space<vmem_shared>> -> memref<10000x128xf32, #tpu.memory_space<vmem_shared>>
        tpu.wait_indirect_dma semaphore(%run_scoped3A : memref<!tpu.dma_semaphore, #tpu.memory_space<semaphore_mem>>) src(%arg10 : memref<112x128xf32, #tpu.memory_space<vmem>>) dst(%dma_wait3A_136 : memref<10000x128xf32, #tpu.memory_space<vmem_shared>>)
        tpu.yield
      }) : () -> ()
    }
    %scan3A_36 = arith.constant 44 : i32
    %dma_wait3A = arith.constant 0 : i32
    %dma_wait3A_37 = arith.constant 0 : i32
    %dma_wait3A_38 = tpu.memref_slice %arg4[%dma_wait3A, %dma_wait3A_37] : memref<632x128xf32, #tpu.memory_space<hbm>> -> memref<112x128xf32, #tpu.memory_space<hbm>>
    %dma_wait3A_39 = arith.constant 0 : i32
    %dma_wait3A_40 = arith.constant 0 : i32
    %dma_wait3A_41 = tpu.memref_slice %arg4[%dma_wait3A_39, %dma_wait3A_40] : memref<632x128xf32, #tpu.memory_space<hbm>> -> memref<112x128xf32, #tpu.memory_space<hbm>>
    tpu.wait_dma2 semaphore(%arg12 : memref<!tpu.dma_semaphore, #tpu.memory_space<semaphore_mem>>) src(%dma_wait3A_41 : memref<112x128xf32, #tpu.memory_space<hbm>>) dst(%arg9 : memref<112x128xf32, #tpu.memory_space<vmem>>)
    "tpu.region"() ({
      %run_scoped3A = tpu.sem_alloc : memref<!tpu.dma_semaphore, #tpu.memory_space<semaphore_mem>>
      %dma_start3A_90 = arith.constant 9856 : i32
      %dma_start3A_91 = tpu.memref_slice %arg8[%dma_start3A_90] : memref<10000xi32, #tpu.memory_space<vmem>> -> memref<112xi32, #tpu.memory_space<vmem>>
      %dma_start3A_92 = arith.constant 0 : i32
      %dma_start3A_93 = arith.constant 0 : i32
      %dma_start3A_94 = tpu.memref_slice %arg11[%dma_start3A_92, %dma_start3A_93] : memref<10000x128xf32, #tpu.memory_space<vmem_shared>> -> memref<10000x128xf32, #tpu.memory_space<vmem_shared>>
      tpu.enqueue_indirect_dma source(%arg9 : memref<112x128xf32, #tpu.memory_space<vmem>>) target(%dma_start3A_94 : memref<10000x128xf32, #tpu.memory_space<vmem_shared>>) offsets(%dma_start3A_91 : memref<112xi32, #tpu.memory_space<vmem>>) semaphore(%run_scoped3A : memref<!tpu.dma_semaphore, #tpu.memory_space<semaphore_mem>>) {add = true}
      %dma_wait3A_95 = arith.constant 9856 : i32
      %dma_wait3A_96 = tpu.memref_slice %arg8[%dma_wait3A_95] : memref<10000xi32, #tpu.memory_space<vmem>> -> memref<112xi32, #tpu.memory_space<vmem>>
      %dma_wait3A_97 = arith.constant 0 : i32
      %dma_wait3A_98 = arith.constant 0 : i32
      %dma_wait3A_99 = tpu.memref_slice %arg11[%dma_wait3A_97, %dma_wait3A_98] : memref<10000x128xf32, #tpu.memory_space<vmem_shared>> -> memref<10000x128xf32, #tpu.memory_space<vmem_shared>>
      tpu.wait_indirect_dma semaphore(%run_scoped3A : memref<!tpu.dma_semaphore, #tpu.memory_space<semaphore_mem>>) src(%arg9 : memref<112x128xf32, #tpu.memory_space<vmem>>) dst(%dma_wait3A_99 : memref<10000x128xf32, #tpu.memory_space<vmem_shared>>)
      tpu.yield
    }) : () -> ()
    %dma_start3A_42 = arith.constant 0 : i32
    %dma_start3A_43 = arith.constant 0 : i32
    %dma_start3A_44 = tpu.memref_slice %arg9[%dma_start3A_42, %dma_start3A_43] : memref<112x128xf32, #tpu.memory_space<vmem>> -> memref<32x128xf32, #tpu.memory_space<vmem>>
    %dma_start3A_45 = arith.constant 9968 : i32
    %dma_start3A_46 = tpu.memref_slice %arg7[%dma_start3A_45] : memref<10000xi32, #tpu.memory_space<vmem>> -> memref<32xi32, #tpu.memory_space<vmem>>
    %dma_start3A_47 = arith.constant 0 : i32
    %dma_start3A_48 = arith.constant 0 : i32
    %dma_start3A_49 = tpu.memref_slice %arg2[%dma_start3A_47, %dma_start3A_48] : memref<10000x128xf32, #tpu.memory_space<hbm>> -> memref<10000x128xf32, #tpu.memory_space<hbm>>
    tpu.enqueue_indirect_dma source(%dma_start3A_49 : memref<10000x128xf32, #tpu.memory_space<hbm>>) target(%dma_start3A_44 : memref<32x128xf32, #tpu.memory_space<vmem>>) offsets(%dma_start3A_46 : memref<32xi32, #tpu.memory_space<vmem>>) semaphore(%arg12 : memref<!tpu.dma_semaphore, #tpu.memory_space<semaphore_mem>>)
    %dma_wait3A_50 = arith.constant 0 : i32
    %dma_wait3A_51 = arith.constant 0 : i32
    %dma_wait3A_52 = tpu.memref_slice %arg9[%dma_wait3A_50, %dma_wait3A_51] : memref<112x128xf32, #tpu.memory_space<vmem>> -> memref<32x128xf32, #tpu.memory_space<vmem>>
    %dma_wait3A_53 = arith.constant 9968 : i32
    %dma_wait3A_54 = tpu.memref_slice %arg7[%dma_wait3A_53] : memref<10000xi32, #tpu.memory_space<vmem>> -> memref<32xi32, #tpu.memory_space<vmem>>
    %dma_wait3A_55 = arith.constant 0 : i32
    %dma_wait3A_56 = arith.constant 0 : i32
    %dma_wait3A_57 = tpu.memref_slice %arg2[%dma_wait3A_55, %dma_wait3A_56] : memref<10000x128xf32, #tpu.memory_space<hbm>> -> memref<10000x128xf32, #tpu.memory_space<hbm>>
    tpu.wait_indirect_dma semaphore(%arg12 : memref<!tpu.dma_semaphore, #tpu.memory_space<semaphore_mem>>) src(%dma_wait3A_57 : memref<10000x128xf32, #tpu.memory_space<hbm>>) dst(%dma_wait3A_52 : memref<32x128xf32, #tpu.memory_space<vmem>>)
    "tpu.region"() ({
      %run_scoped3A = tpu.sem_alloc : memref<!tpu.dma_semaphore, #tpu.memory_space<semaphore_mem>>
      %dma_start3A_90 = arith.constant 0 : i32
      %dma_start3A_91 = arith.constant 0 : i32
      %dma_start3A_92 = tpu.memref_slice %arg9[%dma_start3A_90, %dma_start3A_91] : memref<112x128xf32, #tpu.memory_space<vmem>> -> memref<32x128xf32, #tpu.memory_space<vmem>>
      %dma_start3A_93 = arith.constant 9968 : i32
      %dma_start3A_94 = tpu.memref_slice %arg8[%dma_start3A_93] : memref<10000xi32, #tpu.memory_space<vmem>> -> memref<32xi32, #tpu.memory_space<vmem>>
      %dma_start3A_95 = arith.constant 0 : i32
      %dma_start3A_96 = arith.constant 0 : i32
      %dma_start3A_97 = tpu.memref_slice %arg11[%dma_start3A_95, %dma_start3A_96] : memref<10000x128xf32, #tpu.memory_space<vmem_shared>> -> memref<10000x128xf32, #tpu.memory_space<vmem_shared>>
      tpu.enqueue_indirect_dma source(%dma_start3A_92 : memref<32x128xf32, #tpu.memory_space<vmem>>) target(%dma_start3A_97 : memref<10000x128xf32, #tpu.memory_space<vmem_shared>>) offsets(%dma_start3A_94 : memref<32xi32, #tpu.memory_space<vmem>>) semaphore(%run_scoped3A : memref<!tpu.dma_semaphore, #tpu.memory_space<semaphore_mem>>) {add = true}
      %dma_wait3A_98 = arith.constant 0 : i32
      %dma_wait3A_99 = arith.constant 0 : i32
      %dma_wait3A_100 = tpu.memref_slice %arg9[%dma_wait3A_98, %dma_wait3A_99] : memref<112x128xf32, #tpu.memory_space<vmem>> -> memref<32x128xf32, #tpu.memory_space<vmem>>
      %dma_wait3A_101 = arith.constant 9968 : i32
      %dma_wait3A_102 = tpu.memref_slice %arg8[%dma_wait3A_101] : memref<10000xi32, #tpu.memory_space<vmem>> -> memref<32xi32, #tpu.memory_space<vmem>>
      %dma_wait3A_103 = arith.constant 0 : i32
      %dma_wait3A_104 = arith.constant 0 : i32
      %dma_wait3A_105 = tpu.memref_slice %arg11[%dma_wait3A_103, %dma_wait3A_104] : memref<10000x128xf32, #tpu.memory_space<vmem_shared>> -> memref<10000x128xf32, #tpu.memory_space<vmem_shared>>
      tpu.wait_indirect_dma semaphore(%run_scoped3A : memref<!tpu.dma_semaphore, #tpu.memory_space<semaphore_mem>>) src(%dma_wait3A_100 : memref<32x128xf32, #tpu.memory_space<vmem>>) dst(%dma_wait3A_105 : memref<10000x128xf32, #tpu.memory_space<vmem_shared>>)
      tpu.yield
    }) : () -> ()
    %barrier3A_58 = arith.constant 0 : index
    tpu.barrier barrier_id(%barrier3A_58)
    %eq3A_59 = arith.constant 0 : i32
    %eq3A_60 = arith.cmpi eq, %arg0, %eq3A_59 : i32
    %lt3A_61 = arith.constant 15 : i32
    %lt3A_62 = arith.cmpi slt, %arg1, %lt3A_61 : i32
    %and3A = arith.andi %eq3A_60, %lt3A_62 : i1
    %convert_element_type3A_63 = arith.extui %and3A : i1 to i32
    %cond3A_64 = arith.constant 0 : i32
    %cond3A_65 = arith.cmpi ne, %convert_element_type3A_63, %cond3A_64 : i32
    scf.if %cond3A_65 {
      "tpu.region"() ({
        %run_scoped3A = tpu.sem_alloc : memref<!tpu.dma_semaphore, #tpu.memory_space<semaphore_mem>>
        %dma_start3A_90 = arith.constant 0 : i32
        %dma_start3A_91 = tpu.memref_slice %arg5[%mul3A_2, %dma_start3A_90] : memref<10000x128xf32, #tpu.memory_space<hbm>> -> memref<632x128xf32, #tpu.memory_space<hbm>>
        %dma_start3A_92 = arith.constant 0 : i32
        %dma_start3A_93 = tpu.memref_slice %arg11[%mul3A_2, %dma_start3A_92] : memref<10000x128xf32, #tpu.memory_space<vmem_shared>> -> memref<632x128xf32, #tpu.memory_space<vmem_shared>>
        tpu.enqueue_dma source(%dma_start3A_93 : memref<632x128xf32, #tpu.memory_space<vmem_shared>>) target(%dma_start3A_91 : memref<632x128xf32, #tpu.memory_space<hbm>>) target_semaphore(%run_scoped3A : memref<!tpu.dma_semaphore, #tpu.memory_space<semaphore_mem>>)
        %dma_wait3A_94 = arith.constant 0 : i32
        %dma_wait3A_95 = tpu.memref_slice %arg5[%mul3A_2, %dma_wait3A_94] : memref<10000x128xf32, #tpu.memory_space<hbm>> -> memref<632x128xf32, #tpu.memory_space<hbm>>
        %dma_wait3A_96 = arith.constant 0 : i32
        %dma_wait3A_97 = tpu.memref_slice %arg11[%mul3A_2, %dma_wait3A_96] : memref<10000x128xf32, #tpu.memory_space<vmem_shared>> -> memref<632x128xf32, #tpu.memory_space<vmem_shared>>
        tpu.wait_dma2 semaphore(%run_scoped3A : memref<!tpu.dma_semaphore, #tpu.memory_space<semaphore_mem>>) src(%dma_wait3A_97 : memref<632x128xf32, #tpu.memory_space<vmem_shared>>) dst(%dma_wait3A_95 : memref<632x128xf32, #tpu.memory_space<hbm>>)
        tpu.yield
      }) : () -> ()
    } else {
    }
    %eq3A_66 = arith.constant 0 : i32
    %eq3A_67 = arith.cmpi eq, %arg0, %eq3A_66 : i32
    %eq3A_68 = arith.constant 15 : i32
    %eq3A_69 = arith.cmpi eq, %arg1, %eq3A_68 : i32
    %and3A_70 = arith.andi %eq3A_67, %eq3A_69 : i1
    %convert_element_type3A_71 = arith.extui %and3A_70 : i1 to i32
    %cond3A_72 = arith.constant 0 : i32
    %cond3A_73 = arith.cmpi ne, %convert_element_type3A_71, %cond3A_72 : i32
    scf.if %cond3A_73 {
      "tpu.region"() ({
        %run_scoped3A = tpu.sem_alloc : memref<!tpu.dma_semaphore, #tpu.memory_space<semaphore_mem>>
        %dma_start3A_90 = arith.constant 0 : i32
        %dma_start3A_91 = tpu.memref_slice %arg5[%mul3A_2, %dma_start3A_90] : memref<10000x128xf32, #tpu.memory_space<hbm>> -> memref<520x128xf32, #tpu.memory_space<hbm>>
        %dma_start3A_92 = arith.constant 0 : i32
        %dma_start3A_93 = tpu.memref_slice %arg11[%mul3A_2, %dma_start3A_92] : memref<10000x128xf32, #tpu.memory_space<vmem_shared>> -> memref<520x128xf32, #tpu.memory_space<vmem_shared>>
        tpu.enqueue_dma source(%dma_start3A_93 : memref<520x128xf32, #tpu.memory_space<vmem_shared>>) target(%dma_start3A_91 : memref<520x128xf32, #tpu.memory_space<hbm>>) target_semaphore(%run_scoped3A : memref<!tpu.dma_semaphore, #tpu.memory_space<semaphore_mem>>)
        %dma_wait3A_94 = arith.constant 0 : i32
        %dma_wait3A_95 = tpu.memref_slice %arg5[%mul3A_2, %dma_wait3A_94] : memref<10000x128xf32, #tpu.memory_space<hbm>> -> memref<520x128xf32, #tpu.memory_space<hbm>>
        %dma_wait3A_96 = arith.constant 0 : i32
        %dma_wait3A_97 = tpu.memref_slice %arg11[%mul3A_2, %dma_wait3A_96] : memref<10000x128xf32, #tpu.memory_space<vmem_shared>> -> memref<520x128xf32, #tpu.memory_space<vmem_shared>>
        tpu.wait_dma2 semaphore(%run_scoped3A : memref<!tpu.dma_semaphore, #tpu.memory_space<semaphore_mem>>) src(%dma_wait3A_97 : memref<520x128xf32, #tpu.memory_space<vmem_shared>>) dst(%dma_wait3A_95 : memref<520x128xf32, #tpu.memory_space<hbm>>)
        tpu.yield
      }) : () -> ()
    } else {
    }
    %eq3A_74 = arith.constant 1 : i32
    %eq3A_75 = arith.cmpi eq, %arg0, %eq3A_74 : i32
    %lt3A_76 = arith.constant 15 : i32
    %lt3A_77 = arith.cmpi slt, %arg1, %lt3A_76 : i32
    %and3A_78 = arith.andi %eq3A_75, %lt3A_77 : i1
    %convert_element_type3A_79 = arith.extui %and3A_78 : i1 to i32
    %cond3A_80 = arith.constant 0 : i32
    %cond3A_81 = arith.cmpi ne, %convert_element_type3A_79, %cond3A_80 : i32
    scf.if %cond3A_81 {
      "tpu.region"() ({
        %run_scoped3A = tpu.sem_alloc : memref<!tpu.dma_semaphore, #tpu.memory_space<semaphore_mem>>
        %dma_start3A_90 = arith.constant 0 : i32
        %dma_start3A_91 = tpu.memref_slice %arg6[%mul3A_2, %dma_start3A_90] : memref<10000x128xf32, #tpu.memory_space<hbm>> -> memref<632x128xf32, #tpu.memory_space<hbm>>
        %dma_start3A_92 = arith.constant 0 : i32
        %dma_start3A_93 = tpu.memref_slice %arg11[%mul3A_2, %dma_start3A_92] : memref<10000x128xf32, #tpu.memory_space<vmem_shared>> -> memref<632x128xf32, #tpu.memory_space<vmem_shared>>
        tpu.enqueue_dma source(%dma_start3A_93 : memref<632x128xf32, #tpu.memory_space<vmem_shared>>) target(%dma_start3A_91 : memref<632x128xf32, #tpu.memory_space<hbm>>) target_semaphore(%run_scoped3A : memref<!tpu.dma_semaphore, #tpu.memory_space<semaphore_mem>>)
        %dma_wait3A_94 = arith.constant 0 : i32
        %dma_wait3A_95 = tpu.memref_slice %arg6[%mul3A_2, %dma_wait3A_94] : memref<10000x128xf32, #tpu.memory_space<hbm>> -> memref<632x128xf32, #tpu.memory_space<hbm>>
        %dma_wait3A_96 = arith.constant 0 : i32
        %dma_wait3A_97 = tpu.memref_slice %arg11[%mul3A_2, %dma_wait3A_96] : memref<10000x128xf32, #tpu.memory_space<vmem_shared>> -> memref<632x128xf32, #tpu.memory_space<vmem_shared>>
        tpu.wait_dma2 semaphore(%run_scoped3A : memref<!tpu.dma_semaphore, #tpu.memory_space<semaphore_mem>>) src(%dma_wait3A_97 : memref<632x128xf32, #tpu.memory_space<vmem_shared>>) dst(%dma_wait3A_95 : memref<632x128xf32, #tpu.memory_space<hbm>>)
        tpu.yield
      }) : () -> ()
    } else {
    }
    %eq3A_82 = arith.constant 1 : i32
    %eq3A_83 = arith.cmpi eq, %arg0, %eq3A_82 : i32
    %eq3A_84 = arith.constant 15 : i32
    %eq3A_85 = arith.cmpi eq, %arg1, %eq3A_84 : i32
    %and3A_86 = arith.andi %eq3A_83, %eq3A_85 : i1
    %convert_element_type3A_87 = arith.extui %and3A_86 : i1 to i32
    %cond3A_88 = arith.constant 0 : i32
    %cond3A_89 = arith.cmpi ne, %convert_element_type3A_87, %cond3A_88 : i32
    scf.if %cond3A_89 {
      "tpu.region"() ({
        %run_scoped3A = tpu.sem_alloc : memref<!tpu.dma_semaphore, #tpu.memory_space<semaphore_mem>>
        %dma_start3A_90 = arith.constant 0 : i32
        %dma_start3A_91 = tpu.memref_slice %arg6[%mul3A_2, %dma_start3A_90] : memref<10000x128xf32, #tpu.memory_space<hbm>> -> memref<520x128xf32, #tpu.memory_space<hbm>>
        %dma_start3A_92 = arith.constant 0 : i32
        %dma_start3A_93 = tpu.memref_slice %arg11[%mul3A_2, %dma_start3A_92] : memref<10000x128xf32, #tpu.memory_space<vmem_shared>> -> memref<520x128xf32, #tpu.memory_space<vmem_shared>>
        tpu.enqueue_dma source(%dma_start3A_93 : memref<520x128xf32, #tpu.memory_space<vmem_shared>>) target(%dma_start3A_91 : memref<520x128xf32, #tpu.memory_space<hbm>>) target_semaphore(%run_scoped3A : memref<!tpu.dma_semaphore, #tpu.memory_space<semaphore_mem>>)
        %dma_wait3A_94 = arith.constant 0 : i32
        %dma_wait3A_95 = tpu.memref_slice %arg6[%mul3A_2, %dma_wait3A_94] : memref<10000x128xf32, #tpu.memory_space<hbm>> -> memref<520x128xf32, #tpu.memory_space<hbm>>
        %dma_wait3A_96 = arith.constant 0 : i32
        %dma_wait3A_97 = tpu.memref_slice %arg11[%mul3A_2, %dma_wait3A_96] : memref<10000x128xf32, #tpu.memory_space<vmem_shared>> -> memref<520x128xf32, #tpu.memory_space<vmem_shared>>
        tpu.wait_dma2 semaphore(%run_scoped3A : memref<!tpu.dma_semaphore, #tpu.memory_space<semaphore_mem>>) src(%dma_wait3A_97 : memref<520x128xf32, #tpu.memory_space<vmem_shared>>) dst(%dma_wait3A_95 : memref<520x128xf32, #tpu.memory_space<hbm>>)
        tpu.yield
      }) : () -> ()
    } else {
    }
    return
  }
}

module attributes {stable_mosaic.version = 14 : i64} {
  func.func @_tc_body(%arg0: i32, %arg1: memref<5000x128xf32, #tpu.memory_space<vmem>>, %arg2: memref<5000x128xf32, #tpu.memory_space<vmem>>, %arg3: memref<5000x128xf32, #tpu.memory_space<vmem>>, %arg4: memref<128x128xf32, #tpu.memory_space<vmem>>, %arg5: memref<128x128xf32, #tpu.memory_space<vmem>>, %arg6: memref<5000x128xf32, #tpu.memory_space<vmem>>) attributes {dimension_semantics = [#tpu.dimension_semantics<arbitrary>], iteration_bounds = array<i64: 2>, scalar_prefetch = 0 : i64, scratch_operands = 0 : i64, tpu.core_type = #tpu.core_type<tc>, window_params = [{transform_indices = @transform_0, window_bounds = array<i64: 5000, 128>}, {transform_indices = @transform_1, window_bounds = array<i64: 5000, 128>}, {transform_indices = @transform_2, window_bounds = array<i64: 5000, 128>}, {pipeline_mode = #tpu.pipeline_mode<synchronous>, transform_indices = @transform_3, window_bounds = array<i64: 128, 128>}, {pipeline_mode = #tpu.pipeline_mode<synchronous>, transform_indices = @transform_4, window_bounds = array<i64: 128, 128>}, {transform_indices = @transform_5, window_bounds = array<i64: 5000, 128>}]} {
    %get3A = arith.constant 0 : index
    %get3A_0 = arith.constant 0 : index
    %get3A_1 = vector.load %arg1[%get3A, %get3A_0] : memref<5000x128xf32, #tpu.memory_space<vmem>>, vector<5000x128xf32>
    %get3A_2 = arith.constant 0 : index
    %get3A_3 = arith.constant 0 : index
    %get3A_4 = vector.load %arg2[%get3A_2, %get3A_3] : memref<5000x128xf32, #tpu.memory_space<vmem>>, vector<5000x128xf32>
    %add3A = arith.addf %get3A_1, %get3A_4 : vector<5000x128xf32>
    %get3A_5 = arith.constant 0 : index
    %get3A_6 = arith.constant 0 : index
    %get3A_7 = vector.load %arg4[%get3A_5, %get3A_6] : memref<128x128xf32, #tpu.memory_space<vmem>>, vector<128x128xf32>
    %dot_general3A = arith.constant dense<0.000000e+00> : vector<5000x128xf32>
    %dot_general3A_8 = tpu.matmul %add3A, %get3A_7, %dot_general3A {dimension_numbers = #tpu.dot_dimension_numbers<[1], [0], [0], [1], [0, 0, 1, 1], [], []>, transpose_lhs_hint = false} : vector<5000x128xf32>, vector<128x128xf32>, vector<5000x128xf32> -> vector<5000x128xf32>
    %get3A_9 = arith.constant 0 : index
    %get3A_10 = arith.constant 0 : index
    %get3A_11 = vector.load %arg3[%get3A_9, %get3A_10] : memref<5000x128xf32, #tpu.memory_space<vmem>>, vector<5000x128xf32>
    %get3A_12 = arith.constant 0 : index
    %get3A_13 = arith.constant 0 : index
    %get3A_14 = vector.load %arg5[%get3A_12, %get3A_13] : memref<128x128xf32, #tpu.memory_space<vmem>>, vector<128x128xf32>
    %dot_general3A_15 = arith.constant dense<0.000000e+00> : vector<5000x128xf32>
    %dot_general3A_16 = tpu.matmul %get3A_11, %get3A_14, %dot_general3A_15 {dimension_numbers = #tpu.dot_dimension_numbers<[1], [0], [0], [1], [0, 0, 1, 1], [], []>, transpose_lhs_hint = false} : vector<5000x128xf32>, vector<128x128xf32>, vector<5000x128xf32> -> vector<5000x128xf32>
    %add3A_17 = arith.addf %dot_general3A_8, %dot_general3A_16 : vector<5000x128xf32>
    %ge3A = arith.constant 0.000000e+00 : f32
    %ge3A_18 = vector.broadcast %ge3A : f32 to vector<5000x128xf32>
    %ge3A_19 = arith.cmpf oge, %add3A_17, %ge3A_18 : vector<5000x128xf32>
    %mul3A = arith.constant 0.00999999977 : f32
    %mul3A_20 = vector.broadcast %mul3A : f32 to vector<5000x128xf32>
    %mul3A_21 = arith.mulf %mul3A_20, %add3A_17 : vector<5000x128xf32>
    %select_n3A = arith.select %ge3A_19, %add3A_17, %mul3A_21 : vector<5000x128xi1>, vector<5000x128xf32>
    %swap3A = arith.constant 0 : index
    %swap3A_22 = arith.constant 0 : index
    %swap3A_23 = vector.load %arg6[%swap3A, %swap3A_22] : memref<5000x128xf32, #tpu.memory_space<vmem>>, vector<5000x128xf32>
    tpu.vector_store %arg6[%swap3A, %swap3A_22], %select_n3A {strides = array<i32>} : memref<5000x128xf32, #tpu.memory_space<vmem>>, vector<5000x128xf32>,
    return
  }
  func.func @transform_0(%arg0: i32) -> (i32, i32) {
    %c0_i32 = arith.constant 0 : i32
    %c0_i32_0 = arith.constant 0 : i32
    return %arg0, %c0_i32 : i32, i32
  }
  func.func @transform_1(%arg0: i32) -> (i32, i32) {
    %c0_i32 = arith.constant 0 : i32
    %c0_i32_0 = arith.constant 0 : i32
    return %arg0, %c0_i32 : i32, i32
  }
  func.func @transform_2(%arg0: i32) -> (i32, i32) {
    %c0_i32 = arith.constant 0 : i32
    %c0_i32_0 = arith.constant 0 : i32
    return %arg0, %c0_i32 : i32, i32
  }
  func.func @transform_3(%arg0: i32) -> (i32, i32) {
    %c0_i32 = arith.constant 0 : i32
    %c0_i32_0 = arith.constant 0 : i32
    %c0_i32_1 = arith.constant 0 : i32
    return %c0_i32, %c0_i32_0 : i32, i32
  }
  func.func @transform_4(%arg0: i32) -> (i32, i32) {
    %c0_i32 = arith.constant 0 : i32
    %c0_i32_0 = arith.constant 0 : i32
    %c0_i32_1 = arith.constant 0 : i32
    return %c0_i32, %c0_i32_0 : i32, i32
  }
  func.func @transform_5(%arg0: i32) -> (i32, i32) {
    %c0_i32 = arith.constant 0 : i32
    %c0_i32_0 = arith.constant 0 : i32
    return %arg0, %c0_i32 : i32, i32
  }
}

</mosaic_0001>

<sc_bundles>
// kernel: kernel.4.cloned.1.call-start
scs
__scs_entry_jumppad:
0x0: {  	(pc) =	sbr.rel $0x88, $3  }
0x1: {  	(tag) =	ssettag $0x0;
	lr =	simm.s32 $0x1  }
0x2: {  	[smem:$0x3F9D] =	sst lr;
	_ =	strace $0xD0000000  }
0x3: {  	_ = 	snop  }
0x4: {  	_ = 	snop  }
0x5: {  	_ = 	snop  }
0x6: {  	_ = 	snop  }
0x7: {  	_ = 	snop  }
__scs_overlays_trampoline_lowered:
0x8: {  	[smem:$0x3FAC] =	sst s0  }
0x9: {  	[smem:$0x3FAD] =	sst s1  }
0xa: {  	[smem:$0x3FAE] =	sst s2  }
0xb: {  	[smem:$0x3FAF] =	sst s3  }
0xc: {  	[smem:$0x3FB0] =	sst s4  }
0xd: {  	[smem:$0x3FB1] =	sst s5  }
0xe: {  	[smem:$0x3FB2] =	sst s6  }
0xf: {  	[smem:$0x3FB3] =	sst s7  }
0x10: {  	[smem:$0x3FB4] =	sst s8  }
0x11: {  	[smem:$0x3FB5] =	sst s9;
	s0 =	simm.s32 @!p0 $0x0  }
0x12: {  	s1 =	sld [smem:$0x3F9B];
	s0 =	simm.s32 @p0 $0x1  }
0x13: {  	[smem:$0x3FB6] =	sst s0;
	s0 =	simm.s32 @!p1 $0x0  }
0x14: {  	s2 =	sld [smem:$0x3F9A];
	s0 =	simm.s32 @p1 $0x1  }
0x15: {  	[smem:$0x3FB7] =	sst s0;
	s0 =	simm.s32 @!p2 $0x0  }
0x16: {  	s3 =	sld [smem:$0x3FDB];
	s0 =	simm.s32 @p2 $0x1  }
0x17: {  	s4 =	simm.s32 $0x1BF5;
	[smem:$0x3FB9] =	sst s0  }
0x18: {  	s0 =	sld [smem:$0x3F9C];
	_ =	swait.ge [sflag:s4], $0x0  }
0x19: {  	s7 =	sld [smem:$0x3F9D]  }
0x1a: {  	s8 =	sadd.s32 $0xFFFFE003, lr  }
0x1b: {  	s9 =	sadd.s32 $0xFFFFFEF7, lr;
	s5 =	simm.s32 $0xFFFFFFFF;
	p2 =	slt.u32 s8, $0xFFFFF086  }
0x1c: {  	p1 =	slt.u32 s9, $0xF7A;
	s5 =	simm.s32 @!p2 $0x0  }
0x1d: {  	s5 =	simm.s32 @p1 $0x1;
	p0 =	seq.s32 s7, s2  }
0x1e: {  	s7 =	smul.u32 @!p0 $0xF7A, s2;
	p2 =	seq.s32 @!p0 s5, $0x0  }
0x1f: {  	s9 =	smul.u32 $0xF7A, s1;
	s8 =	simm.s32 @!p0 $0x1BF5;
	p2 =	por !p2, p0  }
0x20: {  	[sflag:s8] =	ssyncset.s32 @!p0 $0xFFFFF086;
	s6 =	sadd.s32 @!p0 s3, s7;
	s7 =	simm.s32 @!p0 $0x108  }
0x21: {  	s3 =	sadd.s32 s3, s9;
	s6 =	sadd.s32 @!p0 $0x88, s6;
	s7 =	simm.s32 @p2 $0x1082  }
0x22: {  	[simem:s7], [sflag:s8] =	dma.local @!p0 [hbm:s6], $0xF7A  }
0x23: {  	s9 =	sor.u32 $0xD0000000, s2;
	s6 =	simm.s32 $0x108;
	_ =	swait.ge @!p0 [sflag:s8], $0x0  }
0x24: {  	s3 =	sadd.s32 $0x88, s3;
	s6 =	simm.s32 @!p1 $0x1082;
	[sflag:s4] =	ssyncset.s32 $0xFFFFF086  }
0x25: {  	[simem:s6], [sflag:s4] =	dma.local [hbm:s3], $0xF7A  }
0x26: {  	[smem:$0x3F9D] =	sst s1;
	(tag) =	ssettag s2;
	_ =	strace s9  }
0x27: {  	s1 =	sld [smem:$0x3FAD]  }
0x28: {  	s2 =	sld [smem:$0x3FAE]  }
0x29: {  	s4 =	sld [smem:$0x3FB0]  }
0x2a: {  	p0 =	seq.s32 s5, $0x0;
	s5 =	sld [smem:$0x3FB1]  }
0x2b: {  	s6 =	sld [smem:$0x3FB2]  }
0x2c: {  	s7 =	sld [smem:$0x3FB3]  }
0x2d: {  	s3 =	simm.s32 $0x108;
	s8 =	sld [smem:$0x3FB4]  }
0x2e: {  	s3 =	simm.s32 @!p0 $0x1082;
	s9 =	sld [smem:$0x3FB5]  }
0x2f: {  	lr =	sadd.s32 s0, s3;
	s0 =	sld [smem:$0x3FAC]  }
0x30: {  	s3 =	sld [smem:$0x3FAF]  }
0x31: {  	[smem:$0x3FB8] =	sst s10  }
0x32: {  	s10 =	sld [smem:$0x3FB6];
	_ =	sdelay $0x3  }
0x33: {  	p0 =	seq.s32 s10, $0x1;
	s10 =	sld [smem:$0x3FB8];
	_ =	sdelay $0x3  }
0x34: {  	[smem:$0x3FB8] =	sst s10  }
0x35: {  	s10 =	sld [smem:$0x3FB7];
	_ =	sdelay $0x3  }
0x36: {  	p1 =	seq.s32 s10, $0x1;
	s10 =	sld [smem:$0x3FB8];
	_ =	sdelay $0x3  }
0x37: {  	[smem:$0x3FB8] =	sst s10  }
0x38: {  	s10 =	sld [smem:$0x3FB9]  }
0x39: {  	_ = 	snop;
	(pc) =	sbr.ind lr, $3  }
0x3a: {  	_ = 	snop  }
0x3b: {  	_ = 	snop  }
0x3c: {  	p2 =	seq.s32 s10, $0x1;
	s10 =	sld [smem:$0x3FB8]  }
0x3d: {  	_ =	shalt  }
0x3e: {  	_ =	shalt  }
0x3f: {  	_ =	shalt  }
0x40: {  	_ =	shalt  }
0x41: {  	_ =	shalt  }
0x42: {  	_ =	shalt  }
0x43: {  	_ =	shalt  }
0x44: {  	_ =	shalt  }
0x45: {  	_ =	shalt  }
0x46: {  	_ =	shalt  }
0x47: {  	_ =	shalt  }
0x48: {  	_ =	shalt  }
0x49: {  	_ =	shalt  }
0x4a: {  	_ =	shalt  }
0x4b: {  	_ =	shalt  }
0x4c: {  	_ =	shalt  }
0x4d: {  	_ =	shalt  }
0x4e: {  	_ =	shalt  }
0x4f: {  	_ =	shalt  }
0x50: {  	_ =	shalt  }
0x51: {  	_ =	shalt  }
0x52: {  	_ =	shalt  }
0x53: {  	_ =	shalt  }
0x54: {  	_ =	shalt  }
0x55: {  	_ =	shalt  }
0x56: {  	_ =	shalt  }
0x57: {  	_ =	shalt  }
0x58: {  	_ =	shalt  }
0x59: {  	_ =	shalt  }
0x5a: {  	_ =	shalt  }
0x5b: {  	_ =	shalt  }
0x5c: {  	_ =	shalt  }
0x5d: {  	_ =	shalt  }
0x5e: {  	_ =	shalt  }
0x5f: {  	_ =	shalt  }
0x60: {  	_ =	shalt  }
0x61: {  	_ =	shalt  }
0x62: {  	_ =	shalt  }
0x63: {  	_ =	shalt  }
0x64: {  	_ =	shalt  }
0x65: {  	_ =	shalt  }
0x66: {  	_ =	shalt  }
0x67: {  	_ =	shalt  }
0x68: {  	_ =	shalt  }
0x69: {  	_ =	shalt  }
0x6a: {  	_ =	shalt  }
0x6b: {  	_ =	shalt  }
0x6c: {  	_ =	shalt  }
0x6d: {  	_ =	shalt  }
0x6e: {  	_ =	shalt  }
0x6f: {  	_ =	shalt  }
0x70: {  	_ =	shalt  }
0x71: {  	_ =	shalt  }
0x72: {  	_ =	shalt  }
0x73: {  	_ =	shalt  }
0x74: {  	_ =	shalt  }
0x75: {  	_ =	shalt  }
0x76: {  	_ =	shalt  }
0x77: {  	_ =	shalt  }
0x78: {  	_ =	shalt  }
0x79: {  	_ =	shalt  }
0x7a: {  	_ =	shalt  }
0x7b: {  	_ =	shalt  }
0x7c: {  	_ =	shalt  }
0x7d: {  	_ =	shalt  }
0x7e: {  	_ =	shalt  }
0x7f: {  	_ =	shalt  }
0x80: {  	_ =	shalt  }
0x81: {  	_ =	shalt  }
0x82: {  	_ =	shalt  }
0x83: {  	_ =	shalt  }
0x84: {  	_ =	shalt  }
0x85: {  	_ =	shalt  }
0x86: {  	_ =	shalt  }
0x87: {  	_ =	shalt  }
.Lfunc_end0:
.L_simem_size_0:
called_computation_lowered:
.L_overlay_start_0:
0x88: {  	s2 =	sld [smem:$0x3FD9]  }
0x89: {  	s3 =	sld [smem:$0x3FFE];
	_ =	sdelay $0x1  }
0x8a: {  	s1 =	srdreg.scid  }
0x8b: {  	s0 =	sand.u32 $0x1, s1  }
0x8c: {  	s17 =	sshll.u32 s0, $0xA;
	s2 =	sadd.s32 s3, s2  }
0x8d: {  	s2 =	sadd.s32 s2, s17  }
0x8e: {  	[smem:$0x3FC4] =	sst s2  }
0x8f: {  	_ = 	snop  }
0x90: {  	s2 =	sld [smem:$0x3FC9]  }
0x91: {  	s18 =	sld [smem:$0x3FD0];
	(tm) =	ssettm $0x1  }
0x92: {  	s4 =	sld [smem:$0x3FFB];
	_ =	sdelay $0x3  }
0x93: {  	_ =	strace s4  }
0x94: {  	s4 =	sld [smem:$0x3FFC];
	_ =	sdelay $0x3  }
0x95: {  	_ =	strace s4  }
0x96: {  	s4 =	sld [smem:$0x3FFD];
	_ =	sdelay $0x3  }
0x97: {  	_ =	strace s4  }
0x98: {  	_ =	strace $0x8FFFFFFF  }
0x99: {  	s19 =	sld [smem:$0x3FDB];
	_ =	sdelay $0x1  }
0x9a: {  	s5 =	simm.s32 $_scs_section_size  }
0x9b: {  	s6 =	simm.s32 $_size__tile_overlayer_lowered;
	s7 =	simm.s32 $_tile_overlayer_lowered  }
0x9c: {  	s22 =	simm.s32 $0x1BFF;
	s21 =	sshll.u32 s7, $0x1;
	s4 =	sadd.s32 s5, s19  }
0x9d: {  	s8 =	simm.s32 $0x0;
	s20 =	sshll.u32 s6, $0x1;
	s6 =	sadd.s32 s21, s4  }
0x9e: {  	[timem:s8], [sflag:s22] =	dma.local [hbm:s6], s20  }
0x9f: {  	_ =	swait.ge [sflag:s22], s20  }
0xa0: {  	s5 =	ssub.s32 $0x0, s20;
	[sflag:s22] =	ssyncset.done $0x0  }
0xa1: {  	[sflag:s22] =	ssyncadd.s32 s5;
	_ =	sdelay $0x1  }
0xa2: {  	s23 =	simm.s32 $0x1B8B  }
0xa3: {  	_ =	swait.ge [sflag:s23], $0x1  }
0xa4: {  	[sflag:s23] =	ssyncset.done $0x0  }
0xa5: {  	s25 =	simm.s32 $0x1B8E;
	s24 =	sld [smem:$0x3FFE];
	[sflag:s23] =	ssyncadd.s32 $0xFFFFFFFF  }
0xa6: {  	s26 =	simm.s32 $execute0_lowered;
	[smem:$0x3FD2] =	sst s25  }
0xa7: {  	s6 =	sshll.u32 s26, $0x1;
	_ =	strace $0x80000046;
	[dreg:$0x1] =	wrdreg $0xFFFFFFFF  }
0xa8: {  	s28 =	simm.s32 $_size_execute0_lowered;
	s4 =	sadd.s32 s4, s6;
	[dreg:$0x0] =	wrdreg $0x0  }
0xa9: {  	s6 =	sshll.u32 s28, $0x1;
	[dreg:$0x2] =	wrdreg s4  }
0xaa: {  	[dreg:$0x3] =	wrdreg s6  }
0xab: {  	[dreg:$0x4] =	wrdreg $0xC0  }
0xac: {  	_ =	task [dreg:s8], $0x5FFFF  }
0xad: {  	[dreg:$0x1] =	wrdreg $0xFFFFFFFF  }
0xae: {  	[dreg:$0x0] =	wrdreg $0x60  }
0xaf: {  	[dreg:$0x2] =	wrdreg s2  }
0xb0: {  	[dreg:$0x3] =	wrdreg s24  }
0xb1: {  	[dreg:$0x4] =	wrdreg s18  }
0xb2: {  	[dreg:$0x5] =	wrdreg $0xBF000  }
0xb3: {  	[dreg:$0x6] =	wrdreg $0x9  }
0xb4: {  	_ =	task.clear_ibuf [dreg:s8], $0x7FFFF;
	_ =	strace $0x90000046  }
0xb5: {  	s29 =	simm.s32 $0x9;
	_ =	strace $0x80000048  }
0xb6: {  	_ =	swait.ge [sflag:s29], $0x1  }
0xb7: {  	[sflag:s29] =	ssyncadd.s32 $0xFFFFFFFF  }
0xb8: {  	_ =	strace $0x90000048  }
0xb9: {  	_ =	sfence  }
0xba: {  	s30 =	sld [smem:$0x0];
	_ =	sdelay $0x2  }
0xbb: {  	s31 =	sshll.u32 s1, $0xD;
	s1 =	sshrl.u32 s1, $0x2  }
0xbc: {  	s3 =	sand.u32 $0x4000, s31;
	s1 =	sadd.s32 s1, s30  }
0xbd: {  	s0 =	sor.u32 s3, s0;
	s1 =	sshll.u32 s1, $0x11  }
0xbe: {  	s0 =	sor.u32 s1, s0  }
0xbf: {  	s0 =	sadd.s32 $0x8F2B, s0  }
0xc0: {  	[sflag:s0] =	ssyncadd.remote.s32 $0x1  }
0xc1: {  	_ =	sfence.sel $0xFFFF  }
0xc2: {  	[dreg:$0x0] =	wrdreg $0xFFFFFFFF;
	(pc) =	sbr.abs _section_cstart, $3  }
0xc3: {  	[dreg:$0x1] =	wrdreg $0xFFFFFFFF  }
0xc4: {  	_ =	task.clear_ibuf [dreg:s8], $0x2FFFF;
	_ =	strace $0x9FFFFFFF  }
0xc5: {  	(tm) =	ssettm $0x7FFFFFFF  }
tec
execute0_lowered:
.L_overlay_start_1:
0x0: {  	(tag) =	ssettag $0x1  }
0x1: {  	s1 =	rddreg [dreg:$0x0]  }
0x2: {  	s2 =	srdreg.scid;
	s3 =	rddreg [dreg:$0x1]  }
0x3: {  	s0 =	stileid.u32;
	s12 =	rddreg [dreg:$0x2]  }
0x4: {  	s18 =	simm.s32 $0x4;
	s19 =	simm.s32 $0x70;
	s20 =	simm.s32 $0x4F00  }
0x5: {  	s21 =	simm.s32 $0x8700;
	s23 =	simm.s32 $0x1;
	s28 =	simm.s32 $0x4D90  }
0x6: {  	s29 =	simm.s32 $0x4E00;
	s30 =	simm.s32 $0x20;
	s31 =	simm.s32 $0x26F0  }
0x7: {  	s2 =	sand.u32 $0x1, s2;
	s4 =	sshll.u32 s0, $0x1;
	s10 =	smul.u32 $0x4F000, s0  }
0x8: {  	s13 =	sadd.s32 $0x17A00, s3;
	p0 =	seq.s32 s0, $0xF;
	p4 =	sne.s32 s0, $0xF  }
0x9: {  	s26 =	smul.u32 $0x2780, s0;
	s5 =	sor.u32 s2, s4;
	s4 =	rddreg [dreg:$0x3]  }
0xa: {  	s8 =	ssub.s32 $0x2, s2;
	p2 =	seq.s32 s2, $0x0;
	s6 =	smul.u32 $0x2710, s5  }
0xb: {  	s5 =	simm.s32 $0x0;
	s9 =	sshrl.u32 s8, $0x1;
	s25 =	sshrl.u32 s10, $0x2  }
0xc: {  	p1 =	por !p2, !p4;
	p3 =	por !p2, !p0;
	p2 =	seq.s32 s2, $0x1  }
0xd: {  	s12 =	sadd.s32 s12, s26;
	s2 =	sshll.u32 @!p0 s0, $0x6;
	[smem:$0x7FF] =	sst s5  }
0xe: {  	s24 =	ssub.s32 s8, s9;
	s8 =	sadd.s32 $0x128400, s4;
	s9 =	sadd.s32 s25, s4  }
0xf: {  	p1 =	por !p1, !p1;
	p3 =	por !p3, !p3;
	p4 =	por !p4, !p2  }
0x10: {  	s16 =	sor.u32 @!p0 $0x1C03, s2;
	s25 =	simm.s32 $0x2680;
	s2 =	simm.s32 $0x4E70  }
0x11: {  	s6 =	sshrl.u32 s6, $0x3;
	_ =	strace $0x80000047;
	p4 =	por !p4, !p4  }
.Ltmp0:
0x12: {  	[dreg:$0x5] =	wrdreg s13;
	s13 =	sadd.s32 s13, s26;
	(pc) =	sbr.rel .LBB2_1-.Ltmp0, $4  }
0x13: {  	s14 =	smax.u32 s24, $0x1;
	[dreg:$0x6] =	wrdreg s8;
	s15 =	sshrl.u32 @p0 s8, $0x3  }
0x14: {  	s17 =	sshrl.u32 @!p0 s9, $0x3;
	s24 =	simm.s32 $0x2;
	s26 =	simm.s32 $0x4D20  }
0x15: {  	s7 =	sadd.s32 s6, s3;
	s6 =	sadd.s32 $0x15200, s3;
	p4 =	por !p4, p3  }
0x16: {  	s3 =	simm.s32 $0x0;
	s10 =	sadd.s32 $0x1800, s7;
	s11 =	sadd.s32 $0xB440, s7  }
.LBB2_5:
0x17: {  	s3 =	sadd.s32 $0x1, s3  }
0x18: {  	p5 =	sne.s32 s3, s14  }
.Ltmp1:
0x19: {  	_ = 	snop;
	(pc) =	sbr.rel @!p5 .LBB2_6-.Ltmp1, $1  }
0x1a: {  	_ =	sdelay $0x3  }
.LBB2_1:
0x1b: {  	s7 =	simm.s32 @p0 $0x1FC3  }
0x1c: {  	[spmem:s15], [sflag:s7] =	dma.local @p0 [hbm:s6], $0x2080  }
0x1d: {  	[spmem:s17], [sflag:s16] =	dma.local @!p0 [hbm:s6], $0x2780  }
0x1e: {  	[tilespmem:s5], [sflag:$0x4] =	stream.linear.gather [hbm4b:s10+s5], $0x2710, $0x38;
	[tilespmem:$0x1F780] =	vst v63  }
0x1f: {  	_ =	swait.ge [sflag:s18], $0x2710  }
0x20: {  	[sflag:s18] =	ssyncset.done $0x0  }
0x21: {  	[sflag:s18] =	ssyncadd.s32 $0xFFFFD8F0  }
0x22: {  	[tilespmem:s20], [sflag:$0x1] =	stream.indirect.gather [hbm4b:s1+s19], $0x80, s5, s19, $0xb8;
	[tilespmem:$0x1F780] =	vst v63  }
0x23: {  	_ = 	snop  }
0x24: {  	[tilespmem:s21], [sflag:$0x2] =	stream.indirect.gather [hbm4b:s1+s19], $0x80, s19, s19, $0xb8;
	[tilespmem:$0x1F780] =	vst v63  }
0x25: {  	s22 =	simm.s32 $0x2780  }
0x26: {  	[tilespmem:s22], [sflag:$0x4] =	stream.linear.gather [hbm4b:s11+s5], $0x2710, $0x38;
	[tilespmem:$0x1F780] =	vst v63  }
0x27: {  	_ =	swait.ge [sflag:s18], $0x2710  }
0x28: {  	[sflag:s18] =	ssyncset.done $0x0  }
0x29: {  	s7 =	simm.s32 @p0 $0x3;
	[sflag:s18] =	ssyncadd.s32 $0xFFFFD8F0  }
0x2a: {  	_ =	swait.ge @p0 [sflag:s7], $0x2080  }
0x2b: {  	[sflag:s7] =	ssyncset.done @p0 $0x0  }
0x2c: {  	[sflag:s7] =	ssyncadd.s32 @p0 $0xFFFFDF80;
	s7 =	simm.s32 @!p0 $0x3  }
0x2d: {  	_ =	swait.ge @!p0 [sflag:s7], $0x2780  }
0x2e: {  	[sflag:s7] =	ssyncset.done @!p0 $0x0  }
0x2f: {  	[sflag:s7] =	ssyncadd.s32 @!p0 $0xFFFFD880  }
0x30: {  	[bflag:$0x0] =	sbarrier.arrive $0xFFFF  }
0x31: {  	_ =	swait.ge [sflag:s23], $0x3800  }
0x32: {  	[sflag:s23] =	ssyncset.done $0x0  }
0x33: {  	s8 =	simm.s32 $0xE0;
	[sflag:s23] =	ssyncadd.s32 $0xFFFFC800  }
0x34: {  	[tilespmem:s20], [sflag:$0x1] =	stream.indirect.gather [hbm4b:s1+s19], $0x80, s8, s19, $0xb8;
	[tilespmem:$0x1F780] =	vst v63  }
0x35: {  	s22 =	simm.s32 $0x2780  }
0x36: {  	[spmem:s4] =	stream.indirect.scatter.add.f32 [tilespmem:s20], [sflag:$0x4], $0x80, s22, s19, $0xb8;
	[tilespmem:$0x1F780] =	vst v63  }
0x37: {  	_ =	swait.ge [sflag:s18], $0x3800  }
0x38: {  	[sflag:s18] =	ssyncset.done $0x0  }
0x39: {  	[sflag:s18] =	ssyncadd.s32 $0xFFFFC800  }
0x3a: {  	_ =	swait.ge [sflag:s24], $0x3800  }
0x3b: {  	[sflag:s24] =	ssyncset.done $0x0  }
0x3c: {  	s8 =	simm.s32 $0x150;
	[sflag:s24] =	ssyncadd.s32 $0xFFFFC800  }
0x3d: {  	[tilespmem:s21], [sflag:$0x2] =	stream.indirect.gather [hbm4b:s1+s19], $0x80, s8, s19, $0xb8;
	[tilespmem:$0x1F780] =	vst v63  }
0x3e: {  	s22 =	simm.s32 $0x27F0  }
0x3f: {  	[spmem:s4] =	stream.indirect.scatter.add.f32 [tilespmem:s21], [sflag:$0x4], $0x80, s22, s19, $0xb8;
	[tilespmem:$0x1F780] =	vst v63  }
0x40: {  	_ =	swait.ge [sflag:s18], $0x3800  }
0x41: {  	s7 =	simm.s32 $0x380;
	[sflag:s18] =	ssyncset.done $0x0  }
.LBB2_2:
0x42: {  	p5 =	sne.s32 s7, $0x9300  }
0x43: {  	[sflag:s18] =	ssyncadd.s32 $0xFFFFC800;
	s8 =	smov.u32 s7;
	s7 =	sadd.s32 $0x380, s7  }
0x44: {  	_ = 	snop  }
0x45: {  	_ =	swait.ge [sflag:s23], $0x3800  }
0x46: {  	s8 =	sshra.s32 s8, $0x2;
	[sflag:s23] =	ssyncset.done $0x0  }
0x47: {  	s22 =	sadd.s32 $0xE0, s8;
	[sflag:s23] =	ssyncadd.s32 $0xFFFFC800  }
0x48: {  	[tilespmem:s20], [sflag:$0x1] =	stream.indirect.gather [hbm4b:s1+s19], $0x80, s22, s19, $0xb8;
	[tilespmem:$0x1F780] =	vst v63  }
0x49: {  	s22 =	sadd.s32 $0x2780, s8  }
0x4a: {  	[spmem:s4] =	stream.indirect.scatter.add.f32 [tilespmem:s20], [sflag:$0x4], $0x80, s22, s19, $0xb8;
	[tilespmem:$0x1F780] =	vst v63  }
0x4b: {  	_ =	swait.ge [sflag:s18], $0x3800  }
0x4c: {  	[sflag:s18] =	ssyncset.done $0x0  }
0x4d: {  	[sflag:s18] =	ssyncadd.s32 $0xFFFFC800  }
0x4e: {  	_ =	swait.ge [sflag:s24], $0x3800  }
0x4f: {  	[sflag:s24] =	ssyncset.done $0x0  }
0x50: {  	s22 =	sadd.s32 $0x150, s8;
	[sflag:s24] =	ssyncadd.s32 $0xFFFFC800  }
0x51: {  	[tilespmem:s21], [sflag:$0x2] =	stream.indirect.gather [hbm4b:s1+s19], $0x80, s22, s19, $0xb8;
	[tilespmem:$0x1F780] =	vst v63  }
.Ltmp2:
0x52: {  	_ = 	snop;
	(pc) =	sbr.rel @p5 .LBB2_2-.Ltmp2, $4  }
0x53: {  	s8 =	sadd.s32 $0x27F0, s8  }
0x54: {  	[spmem:s4] =	stream.indirect.scatter.add.f32 [tilespmem:s21], [sflag:$0x4], $0x80, s8, s19, $0xb8;
	[tilespmem:$0x1F780] =	vst v63  }
0x55: {  	_ =	swait.ge [sflag:s18], $0x3800  }
0x56: {  	[sflag:s18] =	ssyncset.done $0x0  }
0x57: {  	[sflag:s18] =	ssyncadd.s32 $0xFFFFC800  }
0x58: {  	_ =	swait.ge [sflag:s23], $0x3800  }
0x59: {  	[sflag:s23] =	ssyncset.done $0x0  }
0x5a: {  	[sflag:s23] =	ssyncadd.s32 $0xFFFFC800  }
0x5b: {  	[tilespmem:s20], [sflag:$0x1] =	stream.indirect.gather [hbm4b:s1+s19], $0x80, s25, s19, $0xb8;
	[tilespmem:$0x1F780] =	vst v63  }
0x5c: {  	_ = 	snop  }
0x5d: {  	[spmem:s4] =	stream.indirect.scatter.add.f32 [tilespmem:s20], [sflag:$0x4], $0x80, s26, s19, $0xb8;
	[tilespmem:$0x1F780] =	vst v63  }
0x5e: {  	_ =	swait.ge [sflag:s18], $0x3800  }
0x5f: {  	[sflag:s18] =	ssyncset.done $0x0  }
0x60: {  	[sflag:s18] =	ssyncadd.s32 $0xFFFFC800  }
0x61: {  	_ =	swait.ge [sflag:s24], $0x3800  }
0x62: {  	[sflag:s24] =	ssyncset.done $0x0  }
0x63: {  	[sflag:s24] =	ssyncadd.s32 $0xFFFFC800  }
0x64: {  	[spmem:s4] =	stream.indirect.scatter.add.f32 [tilespmem:s21], [sflag:$0x4], $0x80, s28, s19, $0xb8;
	[tilespmem:$0x1F780] =	vst v63  }
0x65: {  	_ =	swait.ge [sflag:s18], $0x3800  }
0x66: {  	[sflag:s18] =	ssyncset.done $0x0  }
0x67: {  	[sflag:s18] =	ssyncadd.s32 $0xFFFFC800  }
0x68: {  	_ =	swait.ge [sflag:s23], $0x3800  }
0x69: {  	[sflag:s23] =	ssyncset.done $0x0  }
0x6a: {  	[sflag:s23] =	ssyncadd.s32 $0xFFFFC800  }
0x6b: {  	[spmem:s4] =	stream.indirect.scatter.add.f32 [tilespmem:s20], [sflag:$0x4], $0x80, s29, s19, $0xb8;
	[tilespmem:$0x1F780] =	vst v63  }
0x6c: {  	_ =	swait.ge [sflag:s18], $0x3800  }
0x6d: {  	[sflag:s18] =	ssyncset.done $0x0  }
0x6e: {  	[sflag:s18] =	ssyncadd.s32 $0xFFFFC800  }
0x6f: {  	[tilespmem:s20], [sflag:$0x1] =	stream.indirect.gather [hbm4b:s1+s30], $0x80, s31, s30, $0xb8;
	[tilespmem:$0x1F780] =	vst v63  }
0x70: {  	_ =	swait.ge [sflag:s23], $0x1000  }
0x71: {  	[sflag:s23] =	ssyncset.done $0x0  }
0x72: {  	[sflag:s23] =	ssyncadd.s32 $0xFFFFF000  }
0x73: {  	[spmem:s4] =	stream.indirect.scatter.add.f32 [tilespmem:s20], [sflag:$0x4], $0x80, s2, s30, $0xb8;
	[tilespmem:$0x1F780] =	vst v63  }
0x74: {  	_ =	swait.ge [sflag:s18], $0x1000  }
0x75: {  	s7 =	sshll.u32 @p1 s0, $0x6;
	s8 =	sshrl.u32 @p1 s9, $0x3;
	[sflag:s18] =	ssyncset.done $0x0  }
0x76: {  	p5 =	por @!p4 $0x1, $0x1;
	p6 =	por p2, p2;
	[sflag:s18] =	ssyncadd.s32 $0xFFFFF000  }
0x77: {  	s7 =	sor.u32 @p1 $0x1C04, s7;
	p6 =	por @!p4 p5, p5;
	[bflag:$0x0] =	sbarrier.arrive $0xFFFF  }
0x78: {  	[hbm:s12], [sflag:s7] =	dma.local @p1 [spmem:s8], $0x2780  }
0x79: {  	p5 =	por @!p3 !p6, !p0;
	s7 =	simm.s32 @p1 $0x4  }
0x7a: {  	p5 =	por @!p3 !p5, !p5;
	_ =	swait.ge @p1 [sflag:s7], $0x2780  }
0x7b: {  	p5 =	por p3, p5;
	s8 =	sshll.u32 @!p4 s0, $0x6;
	[sflag:s7] =	ssyncset.done @p1 $0x0  }
0x7c: {  	[sflag:s7] =	ssyncadd.s32 @p1 $0xFFFFD880;
	s7 =	sor.u32 @!p4 $0x1C04, s8;
	s8 =	sshrl.u32 @!p4 s9, $0x3  }
0x7d: {  	[hbm:s13], [sflag:s7] =	dma.local @!p4 [spmem:s8], $0x2780  }
.Ltmp3:
0x7e: {  	_ = 	snop;
	(pc) =	sbr.rel @!p5 .LBB2_5-.Ltmp3, $4  }
0x7f: {  	s7 =	simm.s32 @!p4 $0x4  }
0x80: {  	_ =	swait.ge @!p4 [sflag:s7], $0x2780  }
0x81: {  	[sflag:s7] =	ssyncset.done @!p4 $0x0  }
0x82: {  	[sflag:s7] =	ssyncadd.s32 @!p4 $0xFFFFD880  }
0x83: {  	s7 =	rddreg [dreg:$0x5]  }
0x84: {  	s8 =	rddreg [dreg:$0x2]  }
0x85: {  	s22 =	rddreg [dreg:$0x6]  }
0x86: {  	s7 =	smov.u32 @p3 s8;
	s8 =	sshrl.u32 s22, $0x3  }
.Ltmp4:
0x87: {  	s22 =	simm.s32 $0x1FC4;
	s7 =	sadd.s32 $0x25080, s7;
	(pc) =	sbr.rel .LBB2_5-.Ltmp4, $4  }
0x88: {  	[hbm:s7], [sflag:s22] =	dma.local [spmem:s8], $0x2080  }
0x89: {  	_ =	swait.ge [sflag:s18], $0x2080  }
0x8a: {  	[sflag:s18] =	ssyncset.done $0x0  }
0x8b: {  	[sflag:s18] =	ssyncadd.s32 $0xFFFFDF80  }
.LBB2_6:
0x8c: {  	_ =	sfence.sel $0x180000  }
0x8d: {  	[bflag:$0x0] =	sbarrier.arrive $0xFFFF  }
0x8e: {  	_ =	strace $0x90000047  }
0x8f: {  	[bflag:$0x2] =	sbarrier.arrive $0xFFFF  }
0x90: {  	p0 =	sne.s32 s0, $0x0;
	s0 =	rddreg [dreg:$0x4]  }
0x91: {  	s0 =	sadd.s32 @!p0 $0x100000, s0  }
0x92: {  	[sflag:s0] =	ssyncadd.tile.s32 @!p0 $0x1;
	_ =	shalt  }
.Lfunc_end2:
_tile_overlayer_lowered:
.L_overlay_start_2:
0x93: {  	(tag) =	ssettag $0x2  }
0x94: {  	s0 =	rddreg [dreg:$0x0];
	s2 =	stileid.u32  }
0x95: {  	s1 =	rddreg [dreg:$0x1];
	p0 =	sne.s32 s2, $0x0  }
0x96: {  	s3 =	rddreg [dreg:$0x2];
	[bflag:$0x3] =	sbarrier.arrive $0xFFFF;
	s2 =	simm.s32 @!p0 $0x1C04  }
0x97: {  	[timem:s3], [sflag:s2] =	dma.local @!p0 [hbm:s0], s1  }
0x98: {  	s0 =	simm.s32 @!p0 $0x4  }
0x99: {  	_ =	swait.ge @!p0 [sflag:s0], s1  }
0x9a: {  	s1 =	ssub.s32 @!p0 $0x0, s1;
	[sflag:s0] =	ssyncset.done @!p0 $0x0  }
0x9b: {  	[sflag:s0] =	ssyncadd.s32 @!p0 s1  }
0x9c: {  	[bflag:$0x3] =	sbarrier.arrive $0xFFFF  }
0x9d: {  	_ =	shalt  }

</sc_bundles>
